<compile_context>
chip_gen: v7x
topology: tpu7x:2x2x1
jax: 0.10.2.dev20260603
libtpu: 0.0.44.dev20260713+nightly
codegen_flags: <defaults>
</compile_context>

<pallas_src>
import functools

import jax
import jax.numpy as jnp
import numpy as np
from jax import lax
from jax.experimental import pallas as pl
from jax.experimental.pallas import tpu as pltpu
from jax.experimental.pallas import tpu_sc as plsc

MIN_D, MAX_D = 0.95, 1.8
_D_CENTER = (MIN_D + MAX_D) / 2.0
_D_HALF_WIDTH = (MAX_D - MIN_D) / 2.0
_LOG_EPS = float(np.log(1e-6))
_HALF_LOG_2PI = float(0.5 * np.log(2.0 * np.pi))

_NUM_CORES = 2
_NUM_SUBCORES = 16
_NW = _NUM_CORES * _NUM_SUBCORES
_L = 16


@functools.lru_cache(maxsize=None)
def _build_sc_call(B: int, E: int):
    ch = -(-B // _NW)
    ch = -(-ch // _L) * _L
    assert ch % 8 == 0 and B % 8 == 0 and ch <= B and (_NW - 1) * ch <= B
    groups = ch // _L

    mesh = plsc.VectorSubcoreMesh(
        core_axis_name="c", subcore_axis_name="s",
        num_cores=_NUM_CORES, num_subcores=_NUM_SUBCORES)

    @functools.partial(
        pl.kernel,
        out_type=(
            jax.ShapeDtypeStruct((B,), jnp.int32),
            jax.ShapeDtypeStruct((B,), jnp.int32),
            jax.ShapeDtypeStruct((B,), jnp.float32),
            jax.ShapeDtypeStruct((3 * B,), jnp.float32),
            jax.ShapeDtypeStruct((B,), jnp.float32),
        ),
        mesh=mesh,
        compiler_params=pltpu.CompilerParams(needs_layout_passes=False),
        scratch_types=[
            pltpu.VMEM((ch * E,), jnp.int32),
            pltpu.VMEM((ch,), jnp.int32),
            pltpu.VMEM((ch,), jnp.int32),
            pltpu.VMEM((ch,), jnp.float32),
            pltpu.VMEM((3 * ch,), jnp.float32),
            pltpu.VMEM((ch,), jnp.float32),
            pltpu.VMEM((5 * _L,), jnp.float32),
        ],
    )
    def sc_call(params_hbm, bag_hbm, focus_hbm, elem_hbm, dist_hbm,
                orient_hbm, logp_hbm, bag_v, focus_v, elem_v, dist_v,
                orient_v, logp_v, params_v):
        wid = lax.axis_index("s") * _NUM_CORES + lax.axis_index("c")
        base = jnp.minimum(wid * ch, B - ch)
        base = pl.multiple_of(base, 8)

        pltpu.sync_copy(params_hbm, params_v)
        pltpu.sync_copy(bag_hbm.at[pl.ds(base * E, ch * E)], bag_v)

        d_raw = params_v[pl.ds(0, _L)]
        log_std = params_v[pl.ds(_L, _L)]
        pat0 = params_v[pl.ds(2 * _L, _L)]
        pat1 = params_v[pl.ds(3 * _L, _L)]
        pat2 = params_v[pl.ds(4 * _L, _L)]

        e2x = jnp.exp(d_raw * 2.0)
        d_mean = (1.0 - 2.0 / (e2x + 1.0)) * _D_HALF_WIDTH + _D_CENTER
        logp_vec = -jnp.maximum(log_std, _LOG_EPS) - _HALF_LOG_2PI
        zero_vec = jnp.zeros((_L,), jnp.int32)
        lane = lax.iota(jnp.int32, _L)

        def body(g, _):
            r0 = g * _L
            word0 = (r0 + lane) * E
            elem = zero_vec
            for j in range(E - 1, -1, -1):
                v = plsc.load_gather(bag_v, [word0 + j])
                elem = jnp.where(v > 0, j, elem)
            elem_v[pl.ds(r0, _L)] = elem
            focus_v[pl.ds(r0, _L)] = zero_vec
            dist_v[pl.ds(r0, _L)] = d_mean
            logp_v[pl.ds(r0, _L)] = logp_vec
            o0 = 3 * r0
            orient_v[pl.ds(o0, _L)] = pat0
            orient_v[pl.ds(o0 + _L, _L)] = pat1
            orient_v[pl.ds(o0 + 2 * _L, _L)] = pat2
            return _

        lax.fori_loop(0, groups, body, None)

        pltpu.sync_copy(focus_v, focus_hbm.at[pl.ds(base, ch)])
        pltpu.sync_copy(elem_v, elem_hbm.at[pl.ds(base, ch)])
        pltpu.sync_copy(dist_v, dist_hbm.at[pl.ds(base, ch)])
        pltpu.sync_copy(orient_v, orient_hbm.at[pl.ds(3 * base, 3 * ch)])
        pltpu.sync_copy(logp_v, logp_hbm.at[pl.ds(base, ch)])

    return sc_call


def kernel(elements, batch, ptr, bag, d_mean_trans, d_log_stds,
           orientation_template):
    B = ptr.shape[0] - 1
    E = bag.shape[1]
    bag = bag.astype(jnp.int32).reshape(-1)
    params = jnp.concatenate([
        jnp.broadcast_to(d_mean_trans.reshape(-1)[:1].astype(jnp.float32), (_L,)),
        jnp.broadcast_to(d_log_stds.reshape(-1)[:1].astype(jnp.float32), (_L,)),
        jnp.tile(orientation_template.reshape(-1).astype(jnp.float32), (_L,)),
    ])
    focus, element, dist, orient, logp = _build_sc_call(B, E)(params, bag)
    return (focus, element, dist.reshape(B, 1), orient.reshape(B, 3),
            logp.reshape(B, 1))

# --- scband reference (transcript-rebuilt; emitter-appended) ---
"""Pipeline reference for scband-simple-policy-19061064860352 (READ-ONLY COPY).

The authoritative reference and input builder live on the scoring server;
editing this copy changes nothing except your own understanding.
"""

import jax, jax.numpy as jnp
import numpy as np

N = 1_600_000
B = 100_000
NUM_ELEMENTS = 10
MIN_D, MAX_D = 0.95, 1.8


def setup_inputs(seed: int = 0) -> dict:
    key = jax.random.key(seed)
    k1, k2, k3 = jax.random.split(key, 3)
    elements = jax.random.randint(k1, (N,), 0, NUM_ELEMENTS)
    # guarantee every graph has >= 1 atom, then sort (segment ids sorted, consistent ptr)
    batch = jnp.sort(jnp.concatenate([jnp.arange(B), jax.random.randint(k2, (N - B,), 0, B)]))
    ptr = jnp.searchsorted(batch, jnp.arange(B + 1)).astype(jnp.int32)
    bag = jax.random.randint(k3, (B, NUM_ELEMENTS), 0, 5)
    # learned parameters per __init__
    d_mean_trans = jnp.zeros((1, 1), dtype=jnp.float32)
    d_log_stds = jnp.full((1,), np.log(0.2), dtype=jnp.float32)
    orientation_template = jnp.array([[1.0, 0.0, 0.0]], dtype=jnp.float32)
    return {
        'elements': elements,
        'batch': batch,
        'ptr': ptr,
        'bag': bag,
        'd_mean_trans': d_mean_trans,
        'd_log_stds': d_log_stds,
        'orientation_template': orientation_template,
    }


def reference(elements, batch, ptr, bag, d_mean_trans, d_log_stds, orientation_template):
    n = elements.shape[0]
    num_graphs = ptr.shape[0] - 1
    d_center = (MIN_D + MAX_D) / 2.0
    d_half_width = (MAX_D - MIN_D) / 2.0

    # ---- focus distribution: scatter_softmax over segments ----
    focus_logits = jnp.ones((n,), dtype=jnp.float32)
    seg_max = jax.ops.segment_max(focus_logits, batch, num_segments=num_graphs)
    ex = jnp.exp(focus_logits - seg_max[batch])
    denom = jax.ops.segment_sum(ex, batch, num_segments=num_graphs)
    focus_probs = ex / denom[batch]

    # GraphCategoricalDistribution.argmax(): first (local) argmax index per graph
    m = jax.ops.segment_max(focus_probs, batch, num_segments=num_graphs)
    is_max = focus_probs >= m[batch]
    idxs = jnp.arange(n)
    cand = jnp.where(is_max, idxs, n)
    first_global = jax.ops.segment_min(cand, batch, num_segments=num_graphs)
    focus = first_global - ptr[:-1]

    # ---- element distribution: masked softmax over element vocab ----
    all_element_logits = jnp.ones((n, NUM_ELEMENTS), dtype=jnp.float32)
    mask = (bag > 0)[batch]
    masked = jnp.where(mask, all_element_logits, -1e9)
    masked = masked - jnp.max(masked, axis=-1, keepdims=True)
    e = jnp.exp(masked) * mask.astype(jnp.float32)
    all_element_probs = e / jnp.clip(jnp.sum(e, axis=-1, keepdims=True), 1e-12)
    focused_element_probs = all_element_probs[focus + ptr[:-1]]
    element = jnp.argmax(focused_element_probs, axis=-1)

    # ---- distance (deterministic path: distance = d_mean) ----
    d_mean = jnp.tanh(jnp.broadcast_to(d_mean_trans, (num_graphs, 1))) * d_half_width + d_center
    sigma = jnp.maximum(jnp.exp(d_log_stds), 1e-6)
    distance = d_mean

    orientation = jnp.tile(orientation_template, (num_graphs, 1))

    lp = -((distance - d_mean) ** 2) / (2.0 * sigma ** 2) - jnp.log(sigma) - 0.5 * jnp.log(2.0 * jnp.pi)
    logp = jnp.sum(jnp.stack([lp], axis=-1), axis=-1)

    return focus, element, distance, orientation, logp


if False:  # reference __main__ guard neutralized (emitter)
    out = reference(**setup_inputs())
    for o in out:
        print(o.shape, o.dtype)

if __name__ == "__main__":
    import jax
    _d = setup_inputs()
    print(jax.jit(kernel)(*tuple(_d.values())))

</pallas_src>

<mosaic_0001>
#map = affine_map<(d0, d1) -> (0)>
module attributes {stable_mosaic.version = 14 : i64} {
  func.func @sc_call(%arg0: i32, %arg1: i32, %arg2: memref<80xf32, #tpu.memory_space<hbm>>, %arg3: memref<1000000xi32, #tpu.memory_space<hbm>>, %arg4: memref<100000xi32, #tpu.memory_space<hbm>>, %arg5: memref<100000xi32, #tpu.memory_space<hbm>>, %arg6: memref<100000xf32, #tpu.memory_space<hbm>>, %arg7: memref<300000xf32, #tpu.memory_space<hbm>>, %arg8: memref<100000xf32, #tpu.memory_space<hbm>>, %arg9: memref<31360xi32, #tpu.memory_space<vmem>>, %arg10: memref<3136xi32, #tpu.memory_space<vmem>>, %arg11: memref<3136xi32, #tpu.memory_space<vmem>>, %arg12: memref<3136xf32, #tpu.memory_space<vmem>>, %arg13: memref<9408xf32, #tpu.memory_space<vmem>>, %arg14: memref<3136xf32, #tpu.memory_space<vmem>>, %arg15: memref<80xf32, #tpu.memory_space<vmem>>) attributes {dimension_semantics = [#tpu.dimension_semantics<core_parallel>, #tpu.dimension_semantics<subcore_parallel>], iteration_bounds = array<i64: 2, 16>, scalar_prefetch = 0 : i64, scratch_operands = 7 : i64, tpu.core_type = #tpu.core_type<sc_vector_subcore>, window_params = [{transform_indices = #map}, {transform_indices = #map}, {transform_indices = #map}, {transform_indices = #map}, {transform_indices = #map}, {transform_indices = #map}, {transform_indices = #map}]} {
    %mul3A = arith.constant 2 : i32
    %mul3A_0 = arith.muli %arg1, %mul3A : i32
    %add3A = arith.addi %mul3A_0, %arg0 : i32
    %mul3A_1 = arith.constant 3136 : i32
    %mul3A_2 = arith.muli %add3A, %mul3A_1 : i32
    %min3A = arith.constant 96864 : i32
    %min3A_3 = arith.minsi %mul3A_2, %min3A : i32
    %multiple_of3A = tpu.assume_multiple %min3A_3, 8 : i32
    "tpu.region"() ({
      %run_scoped3A = tpu.sem_alloc : memref<!tpu.dma_semaphore, #tpu.memory_space<semaphore_mem>>
      tpu.enqueue_dma source(%arg2 : memref<80xf32, #tpu.memory_space<hbm>>) target(%arg15 : memref<80xf32, #tpu.memory_space<vmem>>) target_semaphore(%run_scoped3A : memref<!tpu.dma_semaphore, #tpu.memory_space<semaphore_mem>>)
      tpu.wait_dma2 semaphore(%run_scoped3A : memref<!tpu.dma_semaphore, #tpu.memory_space<semaphore_mem>>) src(%arg2 : memref<80xf32, #tpu.memory_space<hbm>>) dst(%arg15 : memref<80xf32, #tpu.memory_space<vmem>>)
      tpu.yield
    }) : () -> ()
    %mul3A_4 = arith.constant 10 : i32
    %mul3A_5 = arith.muli %multiple_of3A, %mul3A_4 : i32
    "tpu.region"() ({
      %run_scoped3A = tpu.sem_alloc : memref<!tpu.dma_semaphore, #tpu.memory_space<semaphore_mem>>
      %dma_start3A = tpu.memref_slice %arg3[%mul3A_5] : memref<1000000xi32, #tpu.memory_space<hbm>> -> memref<31360xi32, #tpu.memory_space<hbm>>
      %dma_start3A_45 = tpu.memref_slice %arg3[%mul3A_5] : memref<1000000xi32, #tpu.memory_space<hbm>> -> memref<31360xi32, #tpu.memory_space<hbm>>
      tpu.enqueue_dma source(%dma_start3A_45 : memref<31360xi32, #tpu.memory_space<hbm>>) target(%arg9 : memref<31360xi32, #tpu.memory_space<vmem>>) target_semaphore(%run_scoped3A : memref<!tpu.dma_semaphore, #tpu.memory_space<semaphore_mem>>)
      %dma_wait3A = tpu.memref_slice %arg3[%mul3A_5] : memref<1000000xi32, #tpu.memory_space<hbm>> -> memref<31360xi32, #tpu.memory_space<hbm>>
      %dma_wait3A_46 = tpu.memref_slice %arg3[%mul3A_5] : memref<1000000xi32, #tpu.memory_space<hbm>> -> memref<31360xi32, #tpu.memory_space<hbm>>
      tpu.wait_dma2 semaphore(%run_scoped3A : memref<!tpu.dma_semaphore, #tpu.memory_space<semaphore_mem>>) src(%dma_wait3A_46 : memref<31360xi32, #tpu.memory_space<hbm>>) dst(%arg9 : memref<31360xi32, #tpu.memory_space<vmem>>)
      tpu.yield
    }) : () -> ()
    %get3A = arith.constant 0 : index
    %get3A_6 = tpu.vector_load %arg15[%get3A] {strides = array<i32>} : memref<80xf32, #tpu.memory_space<vmem>>, vector<16xf32>,
    %get3A_7 = arith.constant 16 : index
    %get3A_8 = tpu.vector_load %arg15[%get3A_7] {strides = array<i32>} : memref<80xf32, #tpu.memory_space<vmem>>, vector<16xf32>,
    %get3A_9 = arith.constant 32 : index
    %get3A_10 = tpu.vector_load %arg15[%get3A_9] {strides = array<i32>} : memref<80xf32, #tpu.memory_space<vmem>>, vector<16xf32>,
    %get3A_11 = arith.constant 48 : index
    %get3A_12 = tpu.vector_load %arg15[%get3A_11] {strides = array<i32>} : memref<80xf32, #tpu.memory_space<vmem>>, vector<16xf32>,
    %get3A_13 = arith.constant 64 : index
    %get3A_14 = tpu.vector_load %arg15[%get3A_13] {strides = array<i32>} : memref<80xf32, #tpu.memory_space<vmem>>, vector<16xf32>,
    %mul3A_15 = arith.constant 2.000000e+00 : f32
    %mul3A_16 = vector.broadcast %mul3A_15 : f32 to vector<16xf32>
    %mul3A_17 = arith.mulf %get3A_6, %mul3A_16 : vector<16xf32>
    %exp3A = math.exp %mul3A_17 : vector<16xf32>
    %add3A_18 = arith.constant 1.000000e+00 : f32
    %add3A_19 = vector.broadcast %add3A_18 : f32 to vector<16xf32>
    %add3A_20 = arith.addf %exp3A, %add3A_19 : vector<16xf32>
    %div3A = arith.constant 2.000000e+00 : f32
    %div3A_21 = vector.broadcast %div3A : f32 to vector<16xf32>
    %div3A_22 = arith.divf %div3A_21, %add3A_20 : vector<16xf32>
    %sub3A = arith.constant 1.000000e+00 : f32
    %sub3A_23 = vector.broadcast %sub3A : f32 to vector<16xf32>
    %sub3A_24 = arith.subf %sub3A_23, %div3A_22 : vector<16xf32>
    %mul3A_25 = arith.constant 4.250000e-01 : f32
    %mul3A_26 = vector.broadcast %mul3A_25 : f32 to vector<16xf32>
    %mul3A_27 = arith.mulf %sub3A_24, %mul3A_26 : vector<16xf32>
    %add3A_28 = arith.constant 1.375000e+00 : f32
    %add3A_29 = vector.broadcast %add3A_28 : f32 to vector<16xf32>
    %add3A_30 = arith.addf %mul3A_27, %add3A_29 : vector<16xf32>
    %max3A = arith.constant -13.8155107 : f32
    %max3A_31 = vector.broadcast %max3A : f32 to vector<16xf32>
    %max3A_32 = arith.maximumf %get3A_8, %max3A_31 : vector<16xf32>
    %neg3A = arith.constant 0.000000e+00 : f32
    %neg3A_33 = vector.broadcast %neg3A : f32 to vector<16xf32>
    %neg3A_34 = arith.subf %neg3A_33, %max3A_32 : vector<16xf32>
    %sub3A_35 = arith.constant 0.918938517 : f32
    %sub3A_36 = vector.broadcast %sub3A_35 : f32 to vector<16xf32>
    %sub3A_37 = arith.subf %neg3A_34, %sub3A_36 : vector<16xf32>
    %broadcast_in_dim3A = arith.constant 0 : i32
    %broadcast_in_dim3A_38 = vector.broadcast %broadcast_in_dim3A : i32 to vector<16xi32>
    %iota3A = tpu.iota {dimensions = array<i32: 0>} : vector<16xi32>
    %scan3A = arith.constant 0 : i32
    %scan3A_39 = arith.constant 196 : i32
    %scan3A_40 = arith.addi %scan3A, %scan3A_39 : i32
    %scan3A_41 = arith.constant 1 : i32
    scf.for %scan3A_45 = %scan3A to %scan3A_40 step %scan3A_41  : i32 {
      %mul3A_46 = arith.constant 16 : i32
      %mul3A_47 = arith.muli %scan3A_45, %mul3A_46 : i32
      %add3A_48 = vector.broadcast %mul3A_47 : i32 to vector<16xi32>
      %add3A_49 = arith.addi %add3A_48, %iota3A : vector<16xi32>
      %mul3A_50 = arith.constant 10 : i32
      %mul3A_51 = vector.broadcast %mul3A_50 : i32 to vector<16xi32>
      %mul3A_52 = arith.muli %add3A_49, %mul3A_51 : vector<16xi32>
      %add3A_53 = arith.constant 9 : i32
      %add3A_54 = vector.broadcast %add3A_53 : i32 to vector<16xi32>
      %add3A_55 = arith.addi %mul3A_52, %add3A_54 : vector<16xi32>
      %gather3A = tpu.vector_load_idx %arg9[%add3A_55] : memref<31360xi32, #tpu.memory_space<vmem>>[vector<16xi32>], vector<16xi32>,
      %gt3A = arith.constant 0 : i32
      %gt3A_56 = vector.broadcast %gt3A : i32 to vector<16xi32>
      %gt3A_57 = arith.cmpi sgt, %gather3A, %gt3A_56 : vector<16xi32>
      %jit3A = arith.constant 9 : i32
      %broadcast_in_dim3A_58 = vector.broadcast %jit3A : i32 to vector<16xi32>
      %select_n3A = arith.select %gt3A_57, %broadcast_in_dim3A_58, %broadcast_in_dim3A_38 : vector<16xi1>, vector<16xi32>
      %add3A_59 = arith.constant 8 : i32
      %add3A_60 = vector.broadcast %add3A_59 : i32 to vector<16xi32>
      %add3A_61 = arith.addi %mul3A_52, %add3A_60 : vector<16xi32>
      %gather3A_62 = tpu.vector_load_idx %arg9[%add3A_61] : memref<31360xi32, #tpu.memory_space<vmem>>[vector<16xi32>], vector<16xi32>,
      %gt3A_63 = arith.constant 0 : i32
      %gt3A_64 = vector.broadcast %gt3A_63 : i32 to vector<16xi32>
      %gt3A_65 = arith.cmpi sgt, %gather3A_62, %gt3A_64 : vector<16xi32>
      %jit3A_66 = arith.constant 8 : i32
      %broadcast_in_dim3A_67 = vector.broadcast %jit3A_66 : i32 to vector<16xi32>
      %select_n3A_68 = arith.select %gt3A_65, %broadcast_in_dim3A_67, %select_n3A : vector<16xi1>, vector<16xi32>
      %add3A_69 = arith.constant 7 : i32
      %add3A_70 = vector.broadcast %add3A_69 : i32 to vector<16xi32>
      %add3A_71 = arith.addi %mul3A_52, %add3A_70 : vector<16xi32>
      %gather3A_72 = tpu.vector_load_idx %arg9[%add3A_71] : memref<31360xi32, #tpu.memory_space<vmem>>[vector<16xi32>], vector<16xi32>,
      %gt3A_73 = arith.constant 0 : i32
      %gt3A_74 = vector.broadcast %gt3A_73 : i32 to vector<16xi32>
      %gt3A_75 = arith.cmpi sgt, %gather3A_72, %gt3A_74 : vector<16xi32>
      %jit3A_76 = arith.constant 7 : i32
      %broadcast_in_dim3A_77 = vector.broadcast %jit3A_76 : i32 to vector<16xi32>
      %select_n3A_78 = arith.select %gt3A_75, %broadcast_in_dim3A_77, %select_n3A_68 : vector<16xi1>, vector<16xi32>
      %add3A_79 = arith.constant 6 : i32
      %add3A_80 = vector.broadcast %add3A_79 : i32 to vector<16xi32>
      %add3A_81 = arith.addi %mul3A_52, %add3A_80 : vector<16xi32>
      %gather3A_82 = tpu.vector_load_idx %arg9[%add3A_81] : memref<31360xi32, #tpu.memory_space<vmem>>[vector<16xi32>], vector<16xi32>,
      %gt3A_83 = arith.constant 0 : i32
      %gt3A_84 = vector.broadcast %gt3A_83 : i32 to vector<16xi32>
      %gt3A_85 = arith.cmpi sgt, %gather3A_82, %gt3A_84 : vector<16xi32>
      %jit3A_86 = arith.constant 6 : i32
      %broadcast_in_dim3A_87 = vector.broadcast %jit3A_86 : i32 to vector<16xi32>
      %select_n3A_88 = arith.select %gt3A_85, %broadcast_in_dim3A_87, %select_n3A_78 : vector<16xi1>, vector<16xi32>
      %add3A_89 = arith.constant 5 : i32
      %add3A_90 = vector.broadcast %add3A_89 : i32 to vector<16xi32>
      %add3A_91 = arith.addi %mul3A_52, %add3A_90 : vector<16xi32>
      %gather3A_92 = tpu.vector_load_idx %arg9[%add3A_91] : memref<31360xi32, #tpu.memory_space<vmem>>[vector<16xi32>], vector<16xi32>,
      %gt3A_93 = arith.constant 0 : i32
      %gt3A_94 = vector.broadcast %gt3A_93 : i32 to vector<16xi32>
      %gt3A_95 = arith.cmpi sgt, %gather3A_92, %gt3A_94 : vector<16xi32>
      %jit3A_96 = arith.constant 5 : i32
      %broadcast_in_dim3A_97 = vector.broadcast %jit3A_96 : i32 to vector<16xi32>
      %select_n3A_98 = arith.select %gt3A_95, %broadcast_in_dim3A_97, %select_n3A_88 : vector<16xi1>, vector<16xi32>
      %add3A_99 = arith.constant 4 : i32
      %add3A_100 = vector.broadcast %add3A_99 : i32 to vector<16xi32>
      %add3A_101 = arith.addi %mul3A_52, %add3A_100 : vector<16xi32>
      %gather3A_102 = tpu.vector_load_idx %arg9[%add3A_101] : memref<31360xi32, #tpu.memory_space<vmem>>[vector<16xi32>], vector<16xi32>,
      %gt3A_103 = arith.constant 0 : i32
      %gt3A_104 = vector.broadcast %gt3A_103 : i32 to vector<16xi32>
      %gt3A_105 = arith.cmpi sgt, %gather3A_102, %gt3A_104 : vector<16xi32>
      %jit3A_106 = arith.constant 4 : i32
      %broadcast_in_dim3A_107 = vector.broadcast %jit3A_106 : i32 to vector<16xi32>
      %select_n3A_108 = arith.select %gt3A_105, %broadcast_in_dim3A_107, %select_n3A_98 : vector<16xi1>, vector<16xi32>
      %add3A_109 = arith.constant 3 : i32
      %add3A_110 = vector.broadcast %add3A_109 : i32 to vector<16xi32>
      %add3A_111 = arith.addi %mul3A_52, %add3A_110 : vector<16xi32>
      %gather3A_112 = tpu.vector_load_idx %arg9[%add3A_111] : memref<31360xi32, #tpu.memory_space<vmem>>[vector<16xi32>], vector<16xi32>,
      %gt3A_113 = arith.constant 0 : i32
      %gt3A_114 = vector.broadcast %gt3A_113 : i32 to vector<16xi32>
      %gt3A_115 = arith.cmpi sgt, %gather3A_112, %gt3A_114 : vector<16xi32>
      %jit3A_116 = arith.constant 3 : i32
      %broadcast_in_dim3A_117 = vector.broadcast %jit3A_116 : i32 to vector<16xi32>
      %select_n3A_118 = arith.select %gt3A_115, %broadcast_in_dim3A_117, %select_n3A_108 : vector<16xi1>, vector<16xi32>
      %add3A_119 = arith.constant 2 : i32
      %add3A_120 = vector.broadcast %add3A_119 : i32 to vector<16xi32>
      %add3A_121 = arith.addi %mul3A_52, %add3A_120 : vector<16xi32>
      %gather3A_122 = tpu.vector_load_idx %arg9[%add3A_121] : memref<31360xi32, #tpu.memory_space<vmem>>[vector<16xi32>], vector<16xi32>,
      %gt3A_123 = arith.constant 0 : i32
      %gt3A_124 = vector.broadcast %gt3A_123 : i32 to vector<16xi32>
      %gt3A_125 = arith.cmpi sgt, %gather3A_122, %gt3A_124 : vector<16xi32>
      %jit3A_126 = arith.constant 2 : i32
      %broadcast_in_dim3A_127 = vector.broadcast %jit3A_126 : i32 to vector<16xi32>
      %select_n3A_128 = arith.select %gt3A_125, %broadcast_in_dim3A_127, %select_n3A_118 : vector<16xi1>, vector<16xi32>
      %add3A_129 = arith.constant 1 : i32
      %add3A_130 = vector.broadcast %add3A_129 : i32 to vector<16xi32>
      %add3A_131 = arith.addi %mul3A_52, %add3A_130 : vector<16xi32>
      %gather3A_132 = tpu.vector_load_idx %arg9[%add3A_131] : memref<31360xi32, #tpu.memory_space<vmem>>[vector<16xi32>], vector<16xi32>,
      %gt3A_133 = arith.constant 0 : i32
      %gt3A_134 = vector.broadcast %gt3A_133 : i32 to vector<16xi32>
      %gt3A_135 = arith.cmpi sgt, %gather3A_132, %gt3A_134 : vector<16xi32>
      %jit3A_136 = arith.constant 1 : i32
      %broadcast_in_dim3A_137 = vector.broadcast %jit3A_136 : i32 to vector<16xi32>
      %select_n3A_138 = arith.select %gt3A_135, %broadcast_in_dim3A_137, %select_n3A_128 : vector<16xi1>, vector<16xi32>
      %add3A_139 = arith.constant 0 : i32
      %add3A_140 = vector.broadcast %add3A_139 : i32 to vector<16xi32>
      %add3A_141 = arith.addi %mul3A_52, %add3A_140 : vector<16xi32>
      %gather3A_142 = tpu.vector_load_idx %arg9[%add3A_141] : memref<31360xi32, #tpu.memory_space<vmem>>[vector<16xi32>], vector<16xi32>,
      %gt3A_143 = arith.constant 0 : i32
      %gt3A_144 = vector.broadcast %gt3A_143 : i32 to vector<16xi32>
      %gt3A_145 = arith.cmpi sgt, %gather3A_142, %gt3A_144 : vector<16xi32>
      %jit3A_146 = arith.constant 0 : i32
      %broadcast_in_dim3A_147 = vector.broadcast %jit3A_146 : i32 to vector<16xi32>
      %select_n3A_148 = arith.select %gt3A_145, %broadcast_in_dim3A_147, %select_n3A_138 : vector<16xi1>, vector<16xi32>
      %swap3A = arith.index_cast %mul3A_47 : i32 to index
      %swap3A_149 = tpu.vector_load %arg11[%swap3A] {strides = array<i32>} : memref<3136xi32, #tpu.memory_space<vmem>>, vector<16xi32>,
      tpu.vector_store %arg11[%swap3A], %select_n3A_148 {strides = array<i32>} : memref<3136xi32, #tpu.memory_space<vmem>>, vector<16xi32>,
      %swap3A_150 = arith.index_cast %mul3A_47 : i32 to index
      %swap3A_151 = tpu.vector_load %arg10[%swap3A_150] {strides = array<i32>} : memref<3136xi32, #tpu.memory_space<vmem>>, vector<16xi32>,
      tpu.vector_store %arg10[%swap3A_150], %broadcast_in_dim3A_38 {strides = array<i32>} : memref<3136xi32, #tpu.memory_space<vmem>>, vector<16xi32>,
      %swap3A_152 = arith.index_cast %mul3A_47 : i32 to index
      %swap3A_153 = tpu.vector_load %arg12[%swap3A_152] {strides = array<i32>} : memref<3136xf32, #tpu.memory_space<vmem>>, vector<16xf32>,
      tpu.vector_store %arg12[%swap3A_152], %add3A_30 {strides = array<i32>} : memref<3136xf32, #tpu.memory_space<vmem>>, vector<16xf32>,
      %swap3A_154 = arith.index_cast %mul3A_47 : i32 to index
      %swap3A_155 = tpu.vector_load %arg14[%swap3A_154] {strides = array<i32>} : memref<3136xf32, #tpu.memory_space<vmem>>, vector<16xf32>,
      tpu.vector_store %arg14[%swap3A_154], %sub3A_37 {strides = array<i32>} : memref<3136xf32, #tpu.memory_space<vmem>>, vector<16xf32>,
      %mul3A_156 = arith.constant 3 : i32
      %mul3A_157 = arith.muli %mul3A_156, %mul3A_47 : i32
      %swap3A_158 = arith.index_cast %mul3A_157 : i32 to index
      %swap3A_159 = tpu.vector_load %arg13[%swap3A_158] {strides = array<i32>} : memref<9408xf32, #tpu.memory_space<vmem>>, vector<16xf32>,
      tpu.vector_store %arg13[%swap3A_158], %get3A_10 {strides = array<i32>} : memref<9408xf32, #tpu.memory_space<vmem>>, vector<16xf32>,
      %add3A_160 = arith.constant 16 : i32
      %add3A_161 = arith.addi %mul3A_157, %add3A_160 : i32
      %swap3A_162 = arith.index_cast %add3A_161 : i32 to index
      %swap3A_163 = tpu.vector_load %arg13[%swap3A_162] {strides = array<i32>} : memref<9408xf32, #tpu.memory_space<vmem>>, vector<16xf32>,
      tpu.vector_store %arg13[%swap3A_162], %get3A_12 {strides = array<i32>} : memref<9408xf32, #tpu.memory_space<vmem>>, vector<16xf32>,
      %add3A_164 = arith.constant 32 : i32
      %add3A_165 = arith.addi %mul3A_157, %add3A_164 : i32
      %swap3A_166 = arith.index_cast %add3A_165 : i32 to index
      %swap3A_167 = tpu.vector_load %arg13[%swap3A_166] {strides = array<i32>} : memref<9408xf32, #tpu.memory_space<vmem>>, vector<16xf32>,
      tpu.vector_store %arg13[%swap3A_166], %get3A_14 {strides = array<i32>} : memref<9408xf32, #tpu.memory_space<vmem>>, vector<16xf32>,
    }
    %scan3A_42 = arith.constant 196 : i32
    "tpu.region"() ({
      %run_scoped3A = tpu.sem_alloc : memref<!tpu.dma_semaphore, #tpu.memory_space<semaphore_mem>>
      %dma_start3A = tpu.memref_slice %arg4[%multiple_of3A] : memref<100000xi32, #tpu.memory_space<hbm>> -> memref<3136xi32, #tpu.memory_space<hbm>>
      %dma_start3A_45 = tpu.memref_slice %arg4[%multiple_of3A] : memref<100000xi32, #tpu.memory_space<hbm>> -> memref<3136xi32, #tpu.memory_space<hbm>>
      tpu.enqueue_dma source(%arg10 : memref<3136xi32, #tpu.memory_space<vmem>>) target(%dma_start3A_45 : memref<3136xi32, #tpu.memory_space<hbm>>) target_semaphore(%run_scoped3A : memref<!tpu.dma_semaphore, #tpu.memory_space<semaphore_mem>>)
      %dma_wait3A = tpu.memref_slice %arg4[%multiple_of3A] : memref<100000xi32, #tpu.memory_space<hbm>> -> memref<3136xi32, #tpu.memory_space<hbm>>
      %dma_wait3A_46 = tpu.memref_slice %arg4[%multiple_of3A] : memref<100000xi32, #tpu.memory_space<hbm>> -> memref<3136xi32, #tpu.memory_space<hbm>>
      tpu.wait_dma2 semaphore(%run_scoped3A : memref<!tpu.dma_semaphore, #tpu.memory_space<semaphore_mem>>) src(%arg10 : memref<3136xi32, #tpu.memory_space<vmem>>) dst(%dma_wait3A_46 : memref<3136xi32, #tpu.memory_space<hbm>>)
      tpu.yield
    }) : () -> ()
    "tpu.region"() ({
      %run_scoped3A = tpu.sem_alloc : memref<!tpu.dma_semaphore, #tpu.memory_space<semaphore_mem>>
      %dma_start3A = tpu.memref_slice %arg5[%multiple_of3A] : memref<100000xi32, #tpu.memory_space<hbm>> -> memref<3136xi32, #tpu.memory_space<hbm>>
      %dma_start3A_45 = tpu.memref_slice %arg5[%multiple_of3A] : memref<100000xi32, #tpu.memory_space<hbm>> -> memref<3136xi32, #tpu.memory_space<hbm>>
      tpu.enqueue_dma source(%arg11 : memref<3136xi32, #tpu.memory_space<vmem>>) target(%dma_start3A_45 : memref<3136xi32, #tpu.memory_space<hbm>>) target_semaphore(%run_scoped3A : memref<!tpu.dma_semaphore, #tpu.memory_space<semaphore_mem>>)
      %dma_wait3A = tpu.memref_slice %arg5[%multiple_of3A] : memref<100000xi32, #tpu.memory_space<hbm>> -> memref<3136xi32, #tpu.memory_space<hbm>>
      %dma_wait3A_46 = tpu.memref_slice %arg5[%multiple_of3A] : memref<100000xi32, #tpu.memory_space<hbm>> -> memref<3136xi32, #tpu.memory_space<hbm>>
      tpu.wait_dma2 semaphore(%run_scoped3A : memref<!tpu.dma_semaphore, #tpu.memory_space<semaphore_mem>>) src(%arg11 : memref<3136xi32, #tpu.memory_space<vmem>>) dst(%dma_wait3A_46 : memref<3136xi32, #tpu.memory_space<hbm>>)
      tpu.yield
    }) : () -> ()
    "tpu.region"() ({
      %run_scoped3A = tpu.sem_alloc : memref<!tpu.dma_semaphore, #tpu.memory_space<semaphore_mem>>
      %dma_start3A = tpu.memref_slice %arg6[%multiple_of3A] : memref<100000xf32, #tpu.memory_space<hbm>> -> memref<3136xf32, #tpu.memory_space<hbm>>
      %dma_start3A_45 = tpu.memref_slice %arg6[%multiple_of3A] : memref<100000xf32, #tpu.memory_space<hbm>> -> memref<3136xf32, #tpu.memory_space<hbm>>
      tpu.enqueue_dma source(%arg12 : memref<3136xf32, #tpu.memory_space<vmem>>) target(%dma_start3A_45 : memref<3136xf32, #tpu.memory_space<hbm>>) target_semaphore(%run_scoped3A : memref<!tpu.dma_semaphore, #tpu.memory_space<semaphore_mem>>)
      %dma_wait3A = tpu.memref_slice %arg6[%multiple_of3A] : memref<100000xf32, #tpu.memory_space<hbm>> -> memref<3136xf32, #tpu.memory_space<hbm>>
      %dma_wait3A_46 = tpu.memref_slice %arg6[%multiple_of3A] : memref<100000xf32, #tpu.memory_space<hbm>> -> memref<3136xf32, #tpu.memory_space<hbm>>
      tpu.wait_dma2 semaphore(%run_scoped3A : memref<!tpu.dma_semaphore, #tpu.memory_space<semaphore_mem>>) src(%arg12 : memref<3136xf32, #tpu.memory_space<vmem>>) dst(%dma_wait3A_46 : memref<3136xf32, #tpu.memory_space<hbm>>)
      tpu.yield
    }) : () -> ()
    %mul3A_43 = arith.constant 3 : i32
    %mul3A_44 = arith.muli %mul3A_43, %multiple_of3A : i32
    "tpu.region"() ({
      %run_scoped3A = tpu.sem_alloc : memref<!tpu.dma_semaphore, #tpu.memory_space<semaphore_mem>>
      %dma_start3A = tpu.memref_slice %arg7[%mul3A_44] : memref<300000xf32, #tpu.memory_space<hbm>> -> memref<9408xf32, #tpu.memory_space<hbm>>
      %dma_start3A_45 = tpu.memref_slice %arg7[%mul3A_44] : memref<300000xf32, #tpu.memory_space<hbm>> -> memref<9408xf32, #tpu.memory_space<hbm>>
      tpu.enqueue_dma source(%arg13 : memref<9408xf32, #tpu.memory_space<vmem>>) target(%dma_start3A_45 : memref<9408xf32, #tpu.memory_space<hbm>>) target_semaphore(%run_scoped3A : memref<!tpu.dma_semaphore, #tpu.memory_space<semaphore_mem>>)
      %dma_wait3A = tpu.memref_slice %arg7[%mul3A_44] : memref<300000xf32, #tpu.memory_space<hbm>> -> memref<9408xf32, #tpu.memory_space<hbm>>
      %dma_wait3A_46 = tpu.memref_slice %arg7[%mul3A_44] : memref<300000xf32, #tpu.memory_space<hbm>> -> memref<9408xf32, #tpu.memory_space<hbm>>
      tpu.wait_dma2 semaphore(%run_scoped3A : memref<!tpu.dma_semaphore, #tpu.memory_space<semaphore_mem>>) src(%arg13 : memref<9408xf32, #tpu.memory_space<vmem>>) dst(%dma_wait3A_46 : memref<9408xf32, #tpu.memory_space<hbm>>)
      tpu.yield
    }) : () -> ()
    "tpu.region"() ({
      %run_scoped3A = tpu.sem_alloc : memref<!tpu.dma_semaphore, #tpu.memory_space<semaphore_mem>>
      %dma_start3A = tpu.memref_slice %arg8[%multiple_of3A] : memref<100000xf32, #tpu.memory_space<hbm>> -> memref<3136xf32, #tpu.memory_space<hbm>>
      %dma_start3A_45 = tpu.memref_slice %arg8[%multiple_of3A] : memref<100000xf32, #tpu.memory_space<hbm>> -> memref<3136xf32, #tpu.memory_space<hbm>>
      tpu.enqueue_dma source(%arg14 : memref<3136xf32, #tpu.memory_space<vmem>>) target(%dma_start3A_45 : memref<3136xf32, #tpu.memory_space<hbm>>) target_semaphore(%run_scoped3A : memref<!tpu.dma_semaphore, #tpu.memory_space<semaphore_mem>>)
      %dma_wait3A = tpu.memref_slice %arg8[%multiple_of3A] : memref<100000xf32, #tpu.memory_space<hbm>> -> memref<3136xf32, #tpu.memory_space<hbm>>
      %dma_wait3A_46 = tpu.memref_slice %arg8[%multiple_of3A] : memref<100000xf32, #tpu.memory_space<hbm>> -> memref<3136xf32, #tpu.memory_space<hbm>>
      tpu.wait_dma2 semaphore(%run_scoped3A : memref<!tpu.dma_semaphore, #tpu.memory_space<semaphore_mem>>) src(%arg14 : memref<3136xf32, #tpu.memory_space<vmem>>) dst(%dma_wait3A_46 : memref<3136xf32, #tpu.memory_space<hbm>>)
      tpu.yield
    }) : () -> ()
    return
  }
}

</mosaic_0001>

<sc_bundles>
// kernel: kernel.3.cloned.1.call-start
scs
__scs_entry_jumppad:
0x0: {  	(pc) =	sbr.rel $0x88, $3  }
0x1: {  	(tag) =	ssettag $0x0;
	lr =	simm.s32 $0x1  }
0x2: {  	[smem:$0x3F9D] =	sst lr;
	_ =	strace $0xD0000000  }
0x3: {  	_ = 	snop  }
0x4: {  	_ = 	snop  }
0x5: {  	_ = 	snop  }
0x6: {  	_ = 	snop  }
0x7: {  	_ = 	snop  }
__scs_overlays_trampoline_lowered:
0x8: {  	[smem:$0x3FAC] =	sst s0  }
0x9: {  	[smem:$0x3FAD] =	sst s1  }
0xa: {  	[smem:$0x3FAE] =	sst s2  }
0xb: {  	[smem:$0x3FAF] =	sst s3  }
0xc: {  	[smem:$0x3FB0] =	sst s4  }
0xd: {  	[smem:$0x3FB1] =	sst s5  }
0xe: {  	[smem:$0x3FB2] =	sst s6  }
0xf: {  	[smem:$0x3FB3] =	sst s7  }
0x10: {  	[smem:$0x3FB4] =	sst s8  }
0x11: {  	[smem:$0x3FB5] =	sst s9;
	s0 =	simm.s32 @!p0 $0x0  }
0x12: {  	s1 =	sld [smem:$0x3F9B];
	s0 =	simm.s32 @p0 $0x1  }
0x13: {  	[smem:$0x3FB6] =	sst s0;
	s0 =	simm.s32 @!p1 $0x0  }
0x14: {  	s2 =	sld [smem:$0x3F9A];
	s0 =	simm.s32 @p1 $0x1  }
0x15: {  	[smem:$0x3FB7] =	sst s0;
	s0 =	simm.s32 @!p2 $0x0  }
0x16: {  	s3 =	sld [smem:$0x3FDB];
	s0 =	simm.s32 @p2 $0x1  }
0x17: {  	s4 =	simm.s32 $0x1BF5;
	[smem:$0x3FB9] =	sst s0  }
0x18: {  	s0 =	sld [smem:$0x3F9C];
	_ =	swait.ge [sflag:s4], $0x0  }
0x19: {  	s7 =	sld [smem:$0x3F9D]  }
0x1a: {  	s8 =	sadd.s32 $0xFFFFE003, lr  }
0x1b: {  	s9 =	sadd.s32 $0xFFFFFEF7, lr;
	s5 =	simm.s32 $0xFFFFFFFF;
	p2 =	slt.u32 s8, $0xFFFFF086  }
0x1c: {  	p1 =	slt.u32 s9, $0xF7A;
	s5 =	simm.s32 @!p2 $0x0  }
0x1d: {  	s5 =	simm.s32 @p1 $0x1;
	p0 =	seq.s32 s7, s2  }
0x1e: {  	s7 =	smul.u32 @!p0 $0xF7A, s2;
	p2 =	seq.s32 @!p0 s5, $0x0  }
0x1f: {  	s9 =	smul.u32 $0xF7A, s1;
	s8 =	simm.s32 @!p0 $0x1BF5;
	p2 =	por !p2, p0  }
0x20: {  	[sflag:s8] =	ssyncset.s32 @!p0 $0xFFFFF086;
	s6 =	sadd.s32 @!p0 s3, s7;
	s7 =	simm.s32 @!p0 $0x108  }
0x21: {  	s3 =	sadd.s32 s3, s9;
	s6 =	sadd.s32 @!p0 $0x88, s6;
	s7 =	simm.s32 @p2 $0x1082  }
0x22: {  	[simem:s7], [sflag:s8] =	dma.local @!p0 [hbm:s6], $0xF7A  }
0x23: {  	s9 =	sor.u32 $0xD0000000, s2;
	s6 =	simm.s32 $0x108;
	_ =	swait.ge @!p0 [sflag:s8], $0x0  }
0x24: {  	s3 =	sadd.s32 $0x88, s3;
	s6 =	simm.s32 @!p1 $0x1082;
	[sflag:s4] =	ssyncset.s32 $0xFFFFF086  }
0x25: {  	[simem:s6], [sflag:s4] =	dma.local [hbm:s3], $0xF7A  }
0x26: {  	[smem:$0x3F9D] =	sst s1;
	(tag) =	ssettag s2;
	_ =	strace s9  }
0x27: {  	s1 =	sld [smem:$0x3FAD]  }
0x28: {  	s2 =	sld [smem:$0x3FAE]  }
0x29: {  	s4 =	sld [smem:$0x3FB0]  }
0x2a: {  	p0 =	seq.s32 s5, $0x0;
	s5 =	sld [smem:$0x3FB1]  }
0x2b: {  	s6 =	sld [smem:$0x3FB2]  }
0x2c: {  	s7 =	sld [smem:$0x3FB3]  }
0x2d: {  	s3 =	simm.s32 $0x108;
	s8 =	sld [smem:$0x3FB4]  }
0x2e: {  	s3 =	simm.s32 @!p0 $0x1082;
	s9 =	sld [smem:$0x3FB5]  }
0x2f: {  	lr =	sadd.s32 s0, s3;
	s0 =	sld [smem:$0x3FAC]  }
0x30: {  	s3 =	sld [smem:$0x3FAF]  }
0x31: {  	[smem:$0x3FB8] =	sst s10  }
0x32: {  	s10 =	sld [smem:$0x3FB6];
	_ =	sdelay $0x3  }
0x33: {  	p0 =	seq.s32 s10, $0x1;
	s10 =	sld [smem:$0x3FB8];
	_ =	sdelay $0x3  }
0x34: {  	[smem:$0x3FB8] =	sst s10  }
0x35: {  	s10 =	sld [smem:$0x3FB7];
	_ =	sdelay $0x3  }
0x36: {  	p1 =	seq.s32 s10, $0x1;
	s10 =	sld [smem:$0x3FB8];
	_ =	sdelay $0x3  }
0x37: {  	[smem:$0x3FB8] =	sst s10  }
0x38: {  	s10 =	sld [smem:$0x3FB9]  }
0x39: {  	_ = 	snop;
	(pc) =	sbr.ind lr, $3  }
0x3a: {  	_ = 	snop  }
0x3b: {  	_ = 	snop  }
0x3c: {  	p2 =	seq.s32 s10, $0x1;
	s10 =	sld [smem:$0x3FB8]  }
0x3d: {  	_ =	shalt  }
0x3e: {  	_ =	shalt  }
0x3f: {  	_ =	shalt  }
0x40: {  	_ =	shalt  }
0x41: {  	_ =	shalt  }
0x42: {  	_ =	shalt  }
0x43: {  	_ =	shalt  }
0x44: {  	_ =	shalt  }
0x45: {  	_ =	shalt  }
0x46: {  	_ =	shalt  }
0x47: {  	_ =	shalt  }
0x48: {  	_ =	shalt  }
0x49: {  	_ =	shalt  }
0x4a: {  	_ =	shalt  }
0x4b: {  	_ =	shalt  }
0x4c: {  	_ =	shalt  }
0x4d: {  	_ =	shalt  }
0x4e: {  	_ =	shalt  }
0x4f: {  	_ =	shalt  }
0x50: {  	_ =	shalt  }
0x51: {  	_ =	shalt  }
0x52: {  	_ =	shalt  }
0x53: {  	_ =	shalt  }
0x54: {  	_ =	shalt  }
0x55: {  	_ =	shalt  }
0x56: {  	_ =	shalt  }
0x57: {  	_ =	shalt  }
0x58: {  	_ =	shalt  }
0x59: {  	_ =	shalt  }
0x5a: {  	_ =	shalt  }
0x5b: {  	_ =	shalt  }
0x5c: {  	_ =	shalt  }
0x5d: {  	_ =	shalt  }
0x5e: {  	_ =	shalt  }
0x5f: {  	_ =	shalt  }
0x60: {  	_ =	shalt  }
0x61: {  	_ =	shalt  }
0x62: {  	_ =	shalt  }
0x63: {  	_ =	shalt  }
0x64: {  	_ =	shalt  }
0x65: {  	_ =	shalt  }
0x66: {  	_ =	shalt  }
0x67: {  	_ =	shalt  }
0x68: {  	_ =	shalt  }
0x69: {  	_ =	shalt  }
0x6a: {  	_ =	shalt  }
0x6b: {  	_ =	shalt  }
0x6c: {  	_ =	shalt  }
0x6d: {  	_ =	shalt  }
0x6e: {  	_ =	shalt  }
0x6f: {  	_ =	shalt  }
0x70: {  	_ =	shalt  }
0x71: {  	_ =	shalt  }
0x72: {  	_ =	shalt  }
0x73: {  	_ =	shalt  }
0x74: {  	_ =	shalt  }
0x75: {  	_ =	shalt  }
0x76: {  	_ =	shalt  }
0x77: {  	_ =	shalt  }
0x78: {  	_ =	shalt  }
0x79: {  	_ =	shalt  }
0x7a: {  	_ =	shalt  }
0x7b: {  	_ =	shalt  }
0x7c: {  	_ =	shalt  }
0x7d: {  	_ =	shalt  }
0x7e: {  	_ =	shalt  }
0x7f: {  	_ =	shalt  }
0x80: {  	_ =	shalt  }
0x81: {  	_ =	shalt  }
0x82: {  	_ =	shalt  }
0x83: {  	_ =	shalt  }
0x84: {  	_ =	shalt  }
0x85: {  	_ =	shalt  }
0x86: {  	_ =	shalt  }
0x87: {  	_ =	shalt  }
.Lfunc_end0:
.L_simem_size_0:
called_computation_lowered:
.L_overlay_start_0:
0x88: {  	s2 =	sld [smem:$0x3FD9]  }
0x89: {  	s3 =	sld [smem:$0x3FFE];
	_ =	sdelay $0x1  }
0x8a: {  	s1 =	srdreg.scid  }
0x8b: {  	s0 =	sand.u32 $0x1, s1  }
0x8c: {  	s14 =	sshll.u32 s0, $0xA;
	s2 =	sadd.s32 s3, s2  }
0x8d: {  	s2 =	sadd.s32 s2, s14  }
0x8e: {  	[smem:$0x3FC4] =	sst s2  }
0x8f: {  	_ = 	snop  }
0x90: {  	s2 =	sld [smem:$0x3FD0];
	_ =	sdelay $0x2  }
0x91: {  	s15 =	simm.s32 $0xA;
	s4 =	simm.s32 $0x10  }
0x92: {  	[smem:s4], [sflag:s15] =	dma.local [hbm:s2], $0x1  }
0x93: {  	_ =	swait.eq [sflag:s15], $0x1  }
0x94: {  	s16 =	sld [smem:$0x10]  }
0x95: {  	s17 =	sld [smem:$0x11];
	[sflag:s15] =	ssyncset.done $0x0  }
0x96: {  	s5 =	sld [smem:$0x13];
	[sflag:s15] =	ssyncadd.s32 $0xFFFFFFFF  }
0x97: {  	s18 =	sld [smem:$0x14];
	(tm) =	ssettm $0x1  }
0x98: {  	s6 =	sld [smem:$0x3FFB];
	_ =	sdelay $0x3  }
0x99: {  	_ =	strace s6  }
0x9a: {  	s6 =	sld [smem:$0x3FFC];
	_ =	sdelay $0x3  }
0x9b: {  	_ =	strace s6  }
0x9c: {  	s6 =	sld [smem:$0x3FFD];
	_ =	sdelay $0x3  }
0x9d: {  	_ =	strace s6  }
0x9e: {  	_ =	strace $0x8FFFFFFF  }
0x9f: {  	s19 =	sld [smem:$0x3FDB];
	_ =	sdelay $0x1  }
0xa0: {  	s7 =	simm.s32 $_scs_section_size  }
0xa1: {  	s8 =	simm.s32 $_size__tile_overlayer_lowered;
	s9 =	simm.s32 $_tile_overlayer_lowered  }
0xa2: {  	s22 =	simm.s32 $0x1BFF;
	s21 =	sshll.u32 s9, $0x1;
	s6 =	sadd.s32 s7, s19  }
0xa3: {  	s10 =	simm.s32 $0x0;
	s20 =	sshll.u32 s8, $0x1;
	s8 =	sadd.s32 s21, s6  }
0xa4: {  	[timem:s10], [sflag:s22] =	dma.local [hbm:s8], s20  }
0xa5: {  	_ =	swait.ge [sflag:s22], s20  }
0xa6: {  	s7 =	ssub.s32 $0x0, s20;
	[sflag:s22] =	ssyncset.done $0x0  }
0xa7: {  	[sflag:s22] =	ssyncadd.s32 s7;
	_ =	sdelay $0x1  }
0xa8: {  	s23 =	simm.s32 $0x1B8B  }
0xa9: {  	_ =	swait.ge [sflag:s23], $0x1  }
0xaa: {  	[sflag:s23] =	ssyncset.done $0x0  }
0xab: {  	s25 =	simm.s32 $0x1B8E;
	s24 =	sld [smem:$0x3FFE];
	[sflag:s23] =	ssyncadd.s32 $0xFFFFFFFF  }
0xac: {  	s26 =	simm.s32 $execute0_lowered;
	[smem:$0x3FD2] =	sst s25  }
0xad: {  	s8 =	sshll.u32 s26, $0x1;
	_ =	strace $0x80000046;
	[dreg:$0x1] =	wrdreg $0xFFFFFFFF  }
0xae: {  	s28 =	simm.s32 $_size_execute0_lowered;
	s6 =	sadd.s32 s6, s8;
	[dreg:$0x0] =	wrdreg $0x0  }
0xaf: {  	s8 =	sshll.u32 s28, $0x1;
	[dreg:$0x2] =	wrdreg s6  }
0xb0: {  	[dreg:$0x3] =	wrdreg s8  }
0xb1: {  	[dreg:$0x4] =	wrdreg $0xC0  }
0xb2: {  	_ =	task [dreg:s10], $0x5FFFF  }
0xb3: {  	[dreg:$0x1] =	wrdreg $0xFFFFFFFF  }
0xb4: {  	[dreg:$0x0] =	wrdreg $0x60  }
0xb5: {  	[dreg:$0x2] =	wrdreg s18  }
0xb6: {  	[dreg:$0x3] =	wrdreg s24  }
0xb7: {  	[dreg:$0x4] =	wrdreg s16  }
0xb8: {  	[dreg:$0x5] =	wrdreg s17  }
0xb9: {  	[dreg:$0x6] =	wrdreg s5  }
0xba: {  	[dreg:$0x7] =	wrdreg $0x9  }
0xbb: {  	_ =	task.clear_ibuf [dreg:s10], $0x8FFFF;
	_ =	strace $0x90000046  }
0xbc: {  	s29 =	simm.s32 $0x9;
	_ =	strace $0x80000048  }
0xbd: {  	_ =	swait.ge [sflag:s29], $0x1  }
0xbe: {  	[sflag:s29] =	ssyncadd.s32 $0xFFFFFFFF  }
0xbf: {  	_ =	strace $0x90000048  }
0xc0: {  	_ =	sfence  }
0xc1: {  	s30 =	sld [smem:$0x0];
	_ =	sdelay $0x2  }
0xc2: {  	s31 =	sshll.u32 s1, $0xD;
	s1 =	sshrl.u32 s1, $0x2  }
0xc3: {  	s3 =	sand.u32 $0x4000, s31;
	s1 =	sadd.s32 s1, s30  }
0xc4: {  	s0 =	sor.u32 s3, s0;
	s1 =	sshll.u32 s1, $0x11  }
0xc5: {  	s0 =	sor.u32 s1, s0  }
0xc6: {  	s0 =	sadd.s32 $0x8F2B, s0  }
0xc7: {  	[sflag:s0] =	ssyncadd.remote.s32 $0x1  }
0xc8: {  	_ =	sfence.sel $0xFFFF  }
0xc9: {  	[dreg:$0x0] =	wrdreg $0xFFFFFFFF;
	(pc) =	sbr.abs _section_cstart, $3  }
0xca: {  	[dreg:$0x1] =	wrdreg $0xFFFFFFFF  }
0xcb: {  	_ =	task.clear_ibuf [dreg:s10], $0x2FFFF;
	_ =	strace $0x9FFFFFFF  }
0xcc: {  	(tm) =	ssettm $0x7FFFFFFF  }
0xcd: {  	_ =	shalt  }
tec
execute0_lowered:
.L_overlay_start_1:
0x0: {  	(tag) =	ssettag $0x1  }
0x1: {  	s5 =	rddreg [dreg:$0x1]  }
0x2: {  	s1 =	srdreg.scid;
	s6 =	rddreg [dreg:$0x2]  }
0x3: {  	s0 =	stileid.u32;
	s7 =	rddreg [dreg:$0x3]  }
0x4: {  	s9 =	rddreg [dreg:$0x4];
	s4 =	sand.u32 $0x1, s1;
	s2 =	sshll.u32 s0, $0x1  }
0x5: {  	s3 =	simm.s32 $0x0;
	s14 =	simm.s32 $0x8700;
	s2 =	sor.u32 s4, s2  }
0x6: {  	s15 =	simm.s32 $0x9380;
	s16 =	simm.s32 $0xA000;
	s2 =	smul.u32 $0xC40, s2  }
0x7: {  	s17 =	simm.s32 $0xC500;
	s18 =	simm.s32 $0x0;
	s4 =	ssub.s32 $0x2, s4  }
0x8: {  	s1 =	rddreg [dreg:$0x0];
	s12 =	sshrl.u32 s4, $0x1;
	s8 =	smin.u32 s2, $0x17A60  }
0x9: {  	[smem:$0x7FF] =	sst s3;
	s12 =	ssub.s32 s4, s12;
	s10 =	smul.u32 $0xA, s8  }
0xa: {  	v0 =	vlaneseq.u32;
	s2 =	rddreg [dreg:$0x5];
	s11 =	sshrl.u32 s8, $0x3;
	s8 =	smul.u32 $0x3, s8  }
0xb: {  	v0 =	vmul.u32 $0xA, v0;
	_ =	strace $0x80000047;
	s13 =	sadd.s32 s11, s5;
	s10 =	sshrl.u32 s10, $0x3  }
0xc: {  	v2 =	vimm.s32 $0x0;
	s8 =	sshrl.u32 s8, $0x3;
	s10 =	sadd.s32 s10, s5;
	s5 =	sadd.s32 s6, s11  }
0xd: {  	v1 =	vadd.s32 $0x9, v0;
	v3 =	vadd.s32 $0x8, v0;
	v4 =	vadd.s32 $0x7, v0;
	s6 =	sadd.s32 s7, s11;
	s7 =	sadd.s32 $0xE00, s13;
	s8 =	sadd.s32 s9, s8  }
0xe: {  	v5 =	vadd.s32 $0x6, v0;
	v6 =	vadd.s32 $0x5, v0;
	v7 =	vadd.s32 $0x4, v0;
	s9 =	sadd.s32 $0x4000, s13;
	s11 =	simm.s32 $0xD180;
	s13 =	simm.s32 $0x7A80  }
0xf: {  	v8 =	vadd.s32 $0x3, v0;
	v9 =	vadd.s32 $0x2, v0;
	v10 =	vor.u32 $0x1, v0;
	s4 =	sadd.s32 $0x187800, s10;
	s10 =	smax.u32 s12, $0x1;
	s12 =	simm.s32 $0x1  }
.LBB2_1:
0x10: {  	[tilespmem:s11], [sflag:$0x1] =	stream.linear.gather [hbm4b:s1+s3], $0x80, $0x38;
	[tilespmem:$0xD200] =	vst v63  }
0x11: {  	_ =	swait.ge [sflag:s12], $0x80  }
0x12: {  	[sflag:s12] =	ssyncset.done $0x0  }
0x13: {  	[sflag:s12] =	ssyncadd.s32 $0xFFFFFF80  }
0x14: {  	[tilespmem:s3], [sflag:$0x1] =	stream.linear.gather [hbm4b:s4+s3], $0x7A80, $0x38;
	[tilespmem:$0xD200] =	vst v63  }
0x15: {  	_ =	swait.ge [sflag:s12], $0x7A80  }
0x16: {  	[sflag:s12] =	ssyncset.done $0x0  }
0x17: {  	[sflag:s12] =	ssyncadd.s32 $0xFFFF8580  }
0x18: {  	v11 =	vld [tilespmem:$0xD180];
	_ =	sdelay $0x4  }
0x19: {  	v11 =	vadd.f32 v11, v11;
	_ =	sdelay $0x1  }
0x1a: {  	v11 =	vmul.f32 $1.442695020e+00, v11;
	_ =	sdelay $0x1  }
0x1b: {  	(erf) = vpow2.f32 v11;
	_ =	sdelay $0x4  }
0x1c: {  	v11 =	vmov s3  }
0x1d: {  	v11 =	vmul.u32 $0xA, v11;
	_ =	sdelay $0x1  }
0x1e: {  	v11 =	vbroadcast v11, $0x0  }
0x1f: {  	v12 =	vpop (erf)  }
0x20: {  	v13 =	vadd.s32 v1, v11;
	v12 =	vadd.f32 $1.000000000e+00, v12  }
0x21: {  	v14 =	vadd.s32 v3, v11  }
0x22: {  	(erf) = vrcp.f32 v12;
	v12 =	vadd.s32 v4, v11  }
0x23: {  	v15 =	vadd.s32 v5, v11  }
0x24: {  	v16 =	vld [tilespmem:$0xD190];
	v17 =	vadd.s32 v6, v11  }
0x25: {  	v18 =	vadd.s32 v7, v11;
	v13 =	vld.idx.msk [tilespmem:v13+s3+$0x0], $0xffff  }
0x26: {  	v19 =	vadd.s32 v8, v11;
	v14 =	vld.idx.msk [tilespmem:v14+s3+$0x0], $0xffff  }
0x27: {  	v20 =	vadd.s32 v9, v11;
	v12 =	vld.idx.msk [tilespmem:v12+s3+$0x0], $0xffff  }
0x28: {  	v21 =	vadd.s32 v10, v11;
	v15 =	vld.idx.msk [tilespmem:v15+s3+$0x0], $0xffff  }
0x29: {  	v17 =	vld.idx.msk [tilespmem:v17+s3+$0x0], $0xffff;
	v11 =	vadd.s32 v0, v11  }
0x2a: {  	v18 =	vld.idx.msk [tilespmem:v18+s3+$0x0], $0xffff;
	vm0 =	vgt.s32 v13, $0x0  }
0x2b: {  	v19 =	vld.idx.msk [tilespmem:v19+s3+$0x0], $0xffff;
	vm7 =	vgt.s32 v14, $0x0;
	v22 =	vsel vm0, $0x9, v2  }
0x2c: {  	v14 =	vld.idx.msk [tilespmem:v20+s3+$0x0], $0xffff;
	v20 =	vsel vm7, $0x8, v22;
	v13 =	vpop (erf);
	vm8 =	vgt.s32 v12, $0x0  }
0x2d: {  	vm9 =	vgt.s32 v15, $0x0;
	v13 =	vadd.f32 v13, v13;
	v12 =	vld.idx.msk [tilespmem:v21+s3+$0x0], $0xffff;
	v20 =	vsel vm8, $0x7, v20  }
0x2e: {  	vm10 =	vgt.s32 v17, $0x0;
	v15 =	vld.idx.msk [tilespmem:v11+s3+$0x0], $0xffff;
	v11 =	vsel vm9, $0x6, v20  }
0x2f: {  	vm11 =	vgt.s32 v18, $0x0;
	v13 =	vsub.f32 $1.000000000e+00, v13;
	v11 =	vsel vm10, $0x5, v11  }
0x30: {  	v16 =	vmax.f32 v16, $-1.381551070e+01;
	vm12 =	vgt.s32 v19, $0x0;
	v11 =	vsel vm11, $0x4, v11  }
0x31: {  	s19 =	simm.s32 $0x10;
	vm13 =	vgt.s32 v14, $0x0;
	v17 =	vmul.f32 $4.250000120e-01, v13;
	v13 =	vsel vm12, $0x3, v11  }
0x32: {  	v14 =	vmov s19;
	vm14 =	vlt.s32 v12, $0x1;
	v13 =	vsel vm13, $0x2, v13  }
0x33: {  	v18 =	vmul.u32 $0xA, v14;
	vm15 =	vgt.s32 v15, $0x0;
	v11 =	vld [tilespmem:$0xD1A0];
	v14 =	vnsel vm14, $0x1, v13  }
0x34: {  	v15 =	vsub.f32 $0.0e+00, v16;
	v12 =	vld [tilespmem:$0xD1B0];
	v19 =	vsel vm15, $0x0, v14  }
0x35: {  	v16 =	vbroadcast v18, $0x0;
	v13 =	vld [tilespmem:$0xD1C0];
	v14 =	vadd.f32 $1.375000000e+00, v17;
	[tilespmem:s14+$0x0] =	vst v19  }
0x36: {  	s24 =	simm.s32 $0xA010;
	v15 =	vadd.f32 $-9.189385170e-01, v15;
	[tilespmem:s13+$0x0] =	vst v2  }
0x37: {  	s26 =	simm.s32 $0x20;
	s20 =	simm.s32 $0xC510;
	s21 =	simm.s32 $0xA040;
	v22 =	vadd.s32 v1, v16;
	v20 =	vadd.s32 v3, v16;
	v21 =	vadd.s32 v5, v16;
	[tilespmem:s15+$0x0] =	vst v14  }
0x38: {  	s23 =	simm.s32 $0x8700;
	s22 =	simm.s32 $0x7A80;
	s19 =	simm.s32 $0x9390;
	v18 =	vadd.s32 v7, v16;
	v17 =	vadd.s32 v4, v16;
	v19 =	vadd.s32 v6, v16;
	[tilespmem:s17+$0x0] =	vst v15  }
.LBB2_2:
0x39: {  	s23 =	sadd.s32 $0x10, s23  }
0x3a: {  	v23 =	vadd.s32 v8, v16;
	v24 =	vadd.s32 v9, v16;
	v25 =	vadd.s32 v10, v16;
	[tilespmem:s24+$0x10] =	vst v13;
	s22 =	sadd.s32 $0x10, s22;
	s28 =	smov.u32 s26;
	s25 =	sadd.s32 $0x10, s26  }
0x3b: {  	p0 =	sne.s32 s26, $0xC30;
	v16 =	vadd.s32 v0, v16;
	[tilespmem:s24+$0xFFFFFFF0] =	vst v11  }
0x3c: {  	[tilespmem:s24+$0x0] =	vst v12;
	s24 =	smov.u32 s21  }
0x3d: {  	v22 =	vld.idx.msk [tilespmem:v22+s3+$0x0], $0xffff  }
0x3e: {  	v20 =	vld.idx.msk [tilespmem:v20+s3+$0x0], $0xffff  }
0x3f: {  	v17 =	vld.idx.msk [tilespmem:v17+s3+$0x0], $0xffff  }
0x40: {  	v21 =	vld.idx.msk [tilespmem:v21+s3+$0x0], $0xffff  }
0x41: {  	v19 =	vld.idx.msk [tilespmem:v19+s3+$0x0], $0xffff  }
0x42: {  	v18 =	vld.idx.msk [tilespmem:v18+s3+$0x0], $0xffff  }
0x43: {  	vm0 =	vgt.s32 v22, $0x0;
	v22 =	vld.idx.msk [tilespmem:v23+s3+$0x0], $0xffff  }
0x44: {  	v23 =	vsel vm0, $0x9, v2;
	vm0 =	vgt.s32 v20, $0x0;
	v20 =	vld.idx.msk [tilespmem:v24+s3+$0x0], $0xffff  }
0x45: {  	v23 =	vsel vm0, $0x8, v23;
	vm0 =	vgt.s32 v17, $0x0;
	v17 =	vld.idx.msk [tilespmem:v25+s3+$0x0], $0xffff  }
0x46: {  	v23 =	vsel vm0, $0x7, v23;
	vm0 =	vgt.s32 v21, $0x0;
	v16 =	vld.idx.msk [tilespmem:v16+s3+$0x0], $0xffff  }
0x47: {  	v21 =	vsel vm0, $0x6, v23;
	vm0 =	vgt.s32 v19, $0x0  }
0x48: {  	v19 =	vsel vm0, $0x5, v21;
	vm0 =	vgt.s32 v18, $0x0  }
0x49: {  	v18 =	vsel vm0, $0x4, v19;
	vm0 =	vgt.s32 v22, $0x0  }
0x4a: {  	v18 =	vsel vm0, $0x3, v18;
	vm0 =	vgt.s32 v20, $0x0  }
0x4b: {  	v19 =	vmov s28;
	v18 =	vsel vm0, $0x2, v18;
	vm0 =	vlt.s32 v17, $0x1  }
0x4c: {  	v17 =	vmul.u32 $0xA, v19;
	v18 =	vnsel vm0, $0x1, v18;
	vm0 =	vgt.s32 v16, $0x0  }
.Ltmp0:
0x4d: {  	v18 =	vsel vm0, $0x0, v18;
	(pc) =	sbr.rel @p0 .LBB2_2-.Ltmp0, $4  }
0x4e: {  	v16 =	vbroadcast v17, $0x0;
	[tilespmem:s23+$0x0] =	vst v18  }
0x4f: {  	[tilespmem:s22+$0x0] =	vst v2  }
0x50: {  	s26 =	smov.u32 s25;
	v22 =	vadd.s32 v1, v16;
	v20 =	vadd.s32 v3, v16;
	v17 =	vadd.s32 v4, v16;
	[tilespmem:s19+$0x0] =	vst v14  }
0x51: {  	s21 =	sadd.s32 $0x30, s21;
	v21 =	vadd.s32 v5, v16;
	v19 =	vadd.s32 v6, v16;
	v18 =	vadd.s32 v7, v16;
	s19 =	sadd.s32 $0x10, s19;
	[tilespmem:s20+$0x0] =	vst v15;
	s20 =	sadd.s32 $0x10, s20  }
0x52: {  	_ = 	snop  }
0x53: {  	[tilespmem:s24+$0x10] =	vst v13  }
0x54: {  	[tilespmem:s24+$0xFFFFFFF0] =	vst v11  }
0x55: {  	[tilespmem:s24+$0x0] =	vst v12  }
0x56: {  	v22 =	vld.idx.msk [tilespmem:v22+s3+$0x0], $0xffff  }
0x57: {  	v23 =	vadd.s32 v8, v16;
	v20 =	vld.idx.msk [tilespmem:v20+s3+$0x0], $0xffff  }
0x58: {  	v24 =	vadd.s32 v9, v16;
	v17 =	vld.idx.msk [tilespmem:v17+s3+$0x0], $0xffff  }
0x59: {  	v25 =	vadd.s32 v10, v16;
	v21 =	vld.idx.msk [tilespmem:v21+s3+$0x0], $0xffff  }
0x5a: {  	v59 =	vadd.s32 v0, v16;
	v19 =	vld.idx.msk [tilespmem:v19+s3+$0x0], $0xffff  }
0x5b: {  	v18 =	vld.idx.msk [tilespmem:v18+s3+$0x0], $0xffff;
	vm0 =	vgt.s32 v22, $0x0  }
0x5c: {  	v60 =	vld.idx.msk [tilespmem:v23+s3+$0x0], $0xffff;
	vm7 =	vgt.s32 v20, $0x0;
	v61 =	vsel vm0, $0x9, v2  }
0x5d: {  	v62 =	vld.idx.msk [tilespmem:v24+s3+$0x0], $0xffff;
	vm8 =	vgt.s32 v17, $0x0;
	v23 =	vsel vm7, $0x8, v61  }
0x5e: {  	v63 =	vld.idx.msk [tilespmem:v25+s3+$0x0], $0xffff;
	vm9 =	vgt.s32 v21, $0x0;
	v23 =	vsel vm8, $0x7, v23  }
0x5f: {  	v16 =	vld.idx.msk [tilespmem:v59+s3+$0x0], $0xffff;
	vm10 =	vgt.s32 v19, $0x0;
	v21 =	vsel vm9, $0x6, v23  }
0x60: {  	vm11 =	vgt.s32 v18, $0x0;
	v19 =	vsel vm10, $0x5, v21  }
0x61: {  	vm12 =	vgt.s32 v60, $0x0;
	v18 =	vsel vm11, $0x4, v19  }
0x62: {  	vm13 =	vgt.s32 v62, $0x0;
	v18 =	vsel vm12, $0x3, v18  }
0x63: {  	vm14 =	vlt.s32 v63, $0x1;
	v18 =	vsel vm13, $0x2, v18  }
0x64: {  	vm15 =	vgt.s32 v16, $0x0;
	v17 =	vnsel vm14, $0x1, v18  }
0x65: {  	s23 =	sadd.s32 $0x10, s23;
	v16 =	vsel vm15, $0x0, v17  }
0x66: {  	s22 =	sadd.s32 $0x10, s22;
	[tilespmem:s23+$0x0] =	vst v16  }
0x67: {  	[tilespmem:s22+$0x0] =	vst v2  }
0x68: {  	[tilespmem:s19+$0x0] =	vst v14  }
0x69: {  	[tilespmem:s20+$0x0] =	vst v15  }
0x6a: {  	[tilespmem:s21+$0x10] =	vst v13  }
0x6b: {  	[tilespmem:s21+$0xFFFFFFF0] =	vst v11  }
0x6c: {  	[tilespmem:s21+$0x0] =	vst v12  }
0x6d: {  	[hbm4b:s5+s3] =	stream.linear.scatter [tilespmem:s13], [sflag:$0x1], $0xC40, $0x38;
	[tilespmem:$0xD200] =	vst v63  }
0x6e: {  	_ =	swait.ge [sflag:s12], $0xC40  }
0x6f: {  	[sflag:s12] =	ssyncset.done $0x0  }
0x70: {  	[sflag:s12] =	ssyncadd.s32 $0xFFFFF3C0  }
0x71: {  	[hbm4b:s6+s3] =	stream.linear.scatter [tilespmem:s14], [sflag:$0x1], $0xC40, $0x38;
	[tilespmem:$0xD200] =	vst v63  }
0x72: {  	_ =	swait.ge [sflag:s12], $0xC40  }
0x73: {  	[sflag:s12] =	ssyncset.done $0x0  }
0x74: {  	[sflag:s12] =	ssyncadd.s32 $0xFFFFF3C0  }
0x75: {  	[hbm4b:s7+s3] =	stream.linear.scatter [tilespmem:s15], [sflag:$0x1], $0xC40, $0x38;
	[tilespmem:$0xD200] =	vst v63  }
0x76: {  	_ =	swait.ge [sflag:s12], $0xC40  }
0x77: {  	[sflag:s12] =	ssyncset.done $0x0  }
0x78: {  	[sflag:s12] =	ssyncadd.s32 $0xFFFFF3C0  }
0x79: {  	[hbm4b:s8+s3] =	stream.linear.scatter [tilespmem:s16], [sflag:$0x1], $0x24C0, $0x38;
	[tilespmem:$0xD200] =	vst v63  }
0x7a: {  	s18 =	sadd.s32 $0x1, s18;
	_ =	swait.ge [sflag:s12], $0x24C0  }
0x7b: {  	p0 =	sne.s32 s18, s10;
	[sflag:s12] =	ssyncset.done $0x0  }
.Ltmp1:
0x7c: {  	[sflag:s12] =	ssyncadd.s32 $0xFFFFDB40;
	(pc) =	sbr.rel @p0 .LBB2_1-.Ltmp1, $4  }
0x7d: {  	[hbm4b:s9+s3] =	stream.linear.scatter [tilespmem:s17], [sflag:$0x1], $0xC40, $0x38;
	[tilespmem:$0xD200] =	vst v63  }
0x7e: {  	_ =	swait.ge [sflag:s12], $0xC40  }
0x7f: {  	[sflag:s12] =	ssyncset.done $0x0  }
0x80: {  	[sflag:s12] =	ssyncadd.s32 $0xFFFFF3C0  }
0x81: {  	_ =	sfence.sel $0x180000  }
0x82: {  	[bflag:$0x0] =	sbarrier.arrive $0xFFFF  }
0x83: {  	p0 =	sne.s32 s0, $0x0;
	_ =	strace $0x90000047  }
0x84: {  	s0 =	sadd.s32 @!p0 $0x100000, s2;
	[bflag:$0x2] =	sbarrier.arrive $0xFFFF  }
0x85: {  	[sflag:s0] =	ssyncadd.tile.s32 @!p0 $0x1;
	_ =	shalt  }
.Lfunc_end2:
_tile_overlayer_lowered:
.L_overlay_start_2:
0x86: {  	(tag) =	ssettag $0x2  }
0x87: {  	s0 =	rddreg [dreg:$0x0];
	s2 =	stileid.u32  }
0x88: {  	s1 =	rddreg [dreg:$0x1];
	p0 =	sne.s32 s2, $0x0  }
0x89: {  	s3 =	rddreg [dreg:$0x2];
	[bflag:$0x3] =	sbarrier.arrive $0xFFFF;
	s2 =	simm.s32 @!p0 $0x1C01  }
0x8a: {  	[timem:s3], [sflag:s2] =	dma.local @!p0 [hbm:s0], s1  }
0x8b: {  	s0 =	simm.s32 @!p0 $0x1  }
0x8c: {  	_ =	swait.ge @!p0 [sflag:s0], s1  }
0x8d: {  	s1 =	ssub.s32 @!p0 $0x0, s1;
	[sflag:s0] =	ssyncset.done @!p0 $0x0  }
0x8e: {  	[sflag:s0] =	ssyncadd.s32 @!p0 s1  }
0x8f: {  	[bflag:$0x3] =	sbarrier.arrive $0xFFFF  }
0x90: {  	_ =	shalt  }

</sc_bundles>
